<compile_context>
chip_gen: v7x
topology: tpu7x:2x2x1
jax: 0.10.2.dev20260603
libtpu: 0.0.44.dev20260713+nightly
codegen_flags: <defaults>
</compile_context>

<pallas_src>
import functools

import jax
import jax.numpy as jnp
from jax import lax
from jax.experimental import pallas as pl
from jax.experimental.pallas import tpu as pltpu
from jax.experimental.pallas import tpu_sc as plsc

_P = 4
_NC = 2
_NS = 16
_NW = _NC * _NS
_L = 16

_RB = 8
_W_PER_RB = 4
_CHUNK_C = 512
_OUT_C = _CHUNK_C * _P
_VREGS = _RB * _CHUNK_C // _L


@functools.lru_cache(maxsize=None)
def _make_sc_call(n_rows: int, n_cols: int):
    assert n_rows % _RB == 0 and n_rows // _RB == _NW // _W_PER_RB
    cols_w = n_cols // _W_PER_RB
    n_chunks = cols_w // _CHUNK_C
    assert n_chunks % 2 == 0 and n_chunks >= 6
    mesh = plsc.VectorSubcoreMesh(core_axis_name="c", subcore_axis_name="s")

    @functools.partial(
        pl.kernel,
        mesh=mesh,
        out_type=jax.ShapeDtypeStruct((n_rows, n_cols * _P), jnp.float32),
        scratch_types=[
            pltpu.VMEM((_RB, _CHUNK_C), jnp.float32),
            pltpu.VMEM((_RB, _CHUNK_C), jnp.float32),
            pltpu.VMEM((_RB, _OUT_C), jnp.float32),
            pltpu.VMEM((_RB, _OUT_C), jnp.float32),
            pltpu.SemaphoreType.DMA,
            pltpu.SemaphoreType.DMA,
            pltpu.SemaphoreType.DMA,
            pltpu.SemaphoreType.DMA,
        ],
        compiler_params=pltpu.CompilerParams(needs_layout_passes=False),
    )
    def sc_interp(x_hbm, y_hbm, in0, in1, out0, out1, si0, si1, so0, so1):
        wid = lax.axis_index("s") * _NC + lax.axis_index("c")
        rb = wid // _W_PER_RB
        q = wid % _W_PER_RB
        row0 = pl.multiple_of(rb * _RB, _RB)
        col0 = q * cols_w
        ins = (in0, in1)
        outs = (out0, out1)
        sis = (si0, si1)
        sos = (so0, so1)

        zeros = jnp.zeros((_L,), jnp.float32)

        @plsc.parallel_loop(0, _RB * _OUT_C // _L, unroll=8)
        def _(j):
            s = jax.lax.shift_right_logical(j, 8)
            c = jax.lax.shift_left(j & (_OUT_C // _L - 1), 4)
            c = pl.multiple_of(c, _L)
            out0[s, pl.ds(c, _L)] = zeros
            out1[s, pl.ds(c, _L)] = zeros

        lane_idx = lax.iota(jnp.int32, _L) * _P

        def in_slice(c):
            return x_hbm.at[
                pl.ds(row0, _RB),
                pl.ds(pl.multiple_of(col0 + c * _CHUNK_C, _CHUNK_C), _CHUNK_C),
            ]

        def out_slice(c):
            return y_hbm.at[
                pl.ds(row0, _RB),
                pl.ds(pl.multiple_of((col0 + c * _CHUNK_C) * _P, _OUT_C), _OUT_C),
            ]

        def scatter(b):
            @plsc.parallel_loop(0, _VREGS, unroll=8)
            def _(j):
                s = jax.lax.shift_right_logical(j, 6)
                c = jax.lax.shift_left(j & (_CHUNK_C // _L - 1), 4)
                c = pl.multiple_of(c, _L)
                v = ins[b][s, pl.ds(c, _L)]
                rows = jnp.broadcast_to(s, (_L,))
                cols = lane_idx + c * _P
                plsc.store_scatter(outs[b], [rows, cols], v)

        for b in range(2):
            pltpu.async_copy(in_slice(b), ins[b], sis[b])

        def pair_body(p, carry):
            for b in range(2):
                c = 2 * p + b

                @pl.when(c >= 2)
                def _():
                    pltpu.make_async_copy(outs[b], out_slice(c), sos[b]).wait()

                pltpu.make_async_copy(in_slice(c), ins[b], sis[b]).wait()
                scatter(b)

                @pl.when(c + 2 < n_chunks)
                def _():
                    pltpu.async_copy(in_slice(c + 2), ins[b], sis[b])

                pltpu.async_copy(outs[b], out_slice(c), sos[b])
            return carry

        lax.fori_loop(0, n_chunks // 2, pair_body, 0)

        for b in range(2):
            pltpu.make_async_copy(
                outs[b], out_slice(n_chunks - 2 + b), sos[b]
            ).wait()

    return sc_interp


def kernel(x):
    b, t = x.shape
    return _make_sc_call(b, t)(x)

# --- scband reference (transcript-rebuilt; emitter-appended) ---
"""Pipeline reference for scband-interpolation-979252544434 (READ-ONLY COPY).

The authoritative reference and input builder live on the scoring server;
editing this copy changes nothing except your own understanding.
"""

import jax, jax.numpy as jnp
import numpy as np

PERIOD = 4
START = 0

def setup_inputs(seed: int = 0) -> dict:
    key = jax.random.key(seed)
    x = jax.random.normal(key, (64, 65536), dtype=jnp.float32)
    return {"x": x}

def reference(x):
    # Interpolation along dim=-1: y has length T_in * P + S, with x values
    # scattered (index_add) at positions S, S+P, S+2P, ...
    T = x.shape[-1] * PERIOD + START
    indices = jnp.arange(START, T, PERIOD, dtype=jnp.int32)
    size = list(x.shape)
    size[-1] = T
    y = jnp.zeros(size, dtype=x.dtype)
    y = y.at[..., indices].add(x)
    return y

if __name__ == "__main__":
    import jax
    _d = setup_inputs()
    print(jax.jit(kernel)(*tuple(_d.values())))

</pallas_src>

<mosaic_0001>
#map = affine_map<(d0, d1) -> (0, 0)>
module attributes {stable_mosaic.version = 14 : i64} {
  func.func @sc_interp(%arg0: i32, %arg1: i32, %arg2: memref<64x65536xf32, #tpu.memory_space<hbm>>, %arg3: memref<64x262144xf32, #tpu.memory_space<hbm>>, %arg4: memref<8x512xf32, #tpu.memory_space<vmem>>, %arg5: memref<8x512xf32, #tpu.memory_space<vmem>>, %arg6: memref<8x2048xf32, #tpu.memory_space<vmem>>, %arg7: memref<8x2048xf32, #tpu.memory_space<vmem>>, %arg8: memref<!tpu.dma_semaphore, #tpu.memory_space<semaphore_mem>>, %arg9: memref<!tpu.dma_semaphore, #tpu.memory_space<semaphore_mem>>, %arg10: memref<!tpu.dma_semaphore, #tpu.memory_space<semaphore_mem>>, %arg11: memref<!tpu.dma_semaphore, #tpu.memory_space<semaphore_mem>>) attributes {dimension_semantics = [#tpu.dimension_semantics<core_parallel>, #tpu.dimension_semantics<subcore_parallel>], iteration_bounds = array<i64: 2, 16>, scalar_prefetch = 0 : i64, scratch_operands = 8 : i64, tpu.core_type = #tpu.core_type<sc_vector_subcore>, window_params = [{transform_indices = #map}, {transform_indices = #map}]} {
    %mul3A = arith.constant 2 : i32
    %mul3A_0 = arith.muli %arg1, %mul3A : i32
    %add3A = arith.addi %mul3A_0, %arg0 : i32
    %jit3A = arith.constant 4 : i32
    %div3A = arith.divsi %add3A, %jit3A : i32
    %sign3A = arith.constant 0 : i32
    %sign3A_1 = arith.cmpi sgt, %add3A, %sign3A : i32
    %sign3A_2 = arith.extui %sign3A_1 : i1 to i32
    %sign3A_3 = arith.constant 0 : i32
    %sign3A_4 = arith.cmpi slt, %add3A, %sign3A_3 : i32
    %sign3A_5 = arith.extui %sign3A_4 : i1 to i32
    %sign3A_6 = arith.subi %sign3A_2, %sign3A_5 : i32
    %sign3A_7 = arith.constant 0 : i32
    %sign3A_8 = arith.cmpi sgt, %jit3A, %sign3A_7 : i32
    %sign3A_9 = arith.extui %sign3A_8 : i1 to i32
    %sign3A_10 = arith.constant 0 : i32
    %sign3A_11 = arith.cmpi slt, %jit3A, %sign3A_10 : i32
    %sign3A_12 = arith.extui %sign3A_11 : i1 to i32
    %sign3A_13 = arith.subi %sign3A_9, %sign3A_12 : i32
    %ne3A = arith.cmpi ne, %sign3A_6, %sign3A_13 : i32
    %rem3A = arith.remsi %add3A, %jit3A : i32
    %ne3A_14 = arith.constant 0 : i32
    %ne3A_15 = arith.cmpi ne, %rem3A, %ne3A_14 : i32
    %and3A = arith.andi %ne3A, %ne3A_15 : i1
    %sub3A = arith.constant 1 : i32
    %sub3A_16 = arith.subi %div3A, %sub3A : i32
    %select_n3A = arith.select %and3A, %sub3A_16, %div3A : i32
    %jit3A_17 = arith.constant 4 : i32
    %eq3A = arith.constant 0 : i32
    %eq3A_18 = arith.cmpi eq, %jit3A_17, %eq3A : i32
    %jit3A_19 = arith.constant 1 : i32
    %select_n3A_20 = arith.select %eq3A_18, %jit3A_19, %jit3A_17 : i32
    %rem3A_21 = arith.remsi %add3A, %select_n3A_20 : i32
    %ne3A_22 = arith.constant 0 : i32
    %ne3A_23 = arith.cmpi ne, %rem3A_21, %ne3A_22 : i32
    %lt3A = arith.constant 0 : i32
    %lt3A_24 = arith.cmpi slt, %rem3A_21, %lt3A : i32
    %lt3A_25 = arith.constant 0 : i32
    %lt3A_26 = arith.cmpi slt, %select_n3A_20, %lt3A_25 : i32
    %ne3A_27 = arith.xori %lt3A_24, %lt3A_26 : i1
    %and3A_28 = arith.andi %ne3A_27, %ne3A_23 : i1
    %add3A_29 = arith.addi %rem3A_21, %select_n3A_20 : i32
    %select_n3A_30 = arith.select %and3A_28, %add3A_29, %rem3A_21 : i32
    %mul3A_31 = arith.constant 8 : i32
    %mul3A_32 = arith.muli %select_n3A, %mul3A_31 : i32
    %multiple_of3A = tpu.assume_multiple %mul3A_32, 8 : i32
    %mul3A_33 = arith.constant 16384 : i32
    %mul3A_34 = arith.muli %select_n3A_30, %mul3A_33 : i32
    %broadcast_in_dim3A = arith.constant 0.000000e+00 : f32
    %broadcast_in_dim3A_35 = vector.broadcast %broadcast_in_dim3A : f32 to vector<16xf32>
    %parallel_loop3A = arith.constant 0 : i32
    %parallel_loop3A_36 = arith.constant 1024 : i32
    %parallel_loop3A_37 = arith.constant 1 : i32
    scf.for %parallel_loop3A_68 = %parallel_loop3A to %parallel_loop3A_36 step %parallel_loop3A_37  : i32 {
      %parallel_loop3A_69 = arith.constant 8 : i32
      %parallel_loop3A_70 = arith.shrui %parallel_loop3A_68, %parallel_loop3A_69 : i32
      %parallel_loop3A_71 = arith.constant 127 : i32
      %parallel_loop3A_72 = arith.andi %parallel_loop3A_68, %parallel_loop3A_71 : i32
      %parallel_loop3A_73 = arith.constant 4 : i32
      %parallel_loop3A_74 = arith.shli %parallel_loop3A_72, %parallel_loop3A_73 : i32
      %parallel_loop3A_75 = tpu.assume_multiple %parallel_loop3A_74, 16 : i32
      %parallel_loop3A_76 = arith.index_cast %parallel_loop3A_70 : i32 to index
      %parallel_loop3A_77 = arith.index_cast %parallel_loop3A_75 : i32 to index
      %parallel_loop3A_78 = tpu.vector_load %arg6[%parallel_loop3A_76, %parallel_loop3A_77] {strides = array<i32>} : memref<8x2048xf32, #tpu.memory_space<vmem>>, vector<16xf32>,
      tpu.vector_store %arg6[%parallel_loop3A_76, %parallel_loop3A_77], %broadcast_in_dim3A_35 {strides = array<i32>} : memref<8x2048xf32, #tpu.memory_space<vmem>>, vector<16xf32>,
      %parallel_loop3A_79 = arith.index_cast %parallel_loop3A_70 : i32 to index
      %parallel_loop3A_80 = arith.index_cast %parallel_loop3A_75 : i32 to index
      %parallel_loop3A_81 = tpu.vector_load %arg7[%parallel_loop3A_79, %parallel_loop3A_80] {strides = array<i32>} : memref<8x2048xf32, #tpu.memory_space<vmem>>, vector<16xf32>,
      tpu.vector_store %arg7[%parallel_loop3A_79, %parallel_loop3A_80], %broadcast_in_dim3A_35 {strides = array<i32>} : memref<8x2048xf32, #tpu.memory_space<vmem>>, vector<16xf32>,
    } {sc.loop_unroll_factor = 8 : i64, sc.parallel_access}
    %iota3A = tpu.iota {dimensions = array<i32: 0>} : vector<16xi32>
    %mul3A_38 = arith.constant 4 : i32
    %mul3A_39 = vector.broadcast %mul3A_38 : i32 to vector<16xi32>
    %mul3A_40 = arith.muli %iota3A, %mul3A_39 : vector<16xi32>
    %add3A_41 = arith.constant 0 : i32
    %add3A_42 = arith.addi %mul3A_34, %add3A_41 : i32
    %multiple_of3A_43 = tpu.assume_multiple %add3A_42, 512 : i32
    %dma_start3A = tpu.memref_slice %arg2[%multiple_of3A, %multiple_of3A_43] : memref<64x65536xf32, #tpu.memory_space<hbm>> -> memref<8x512xf32, #tpu.memory_space<hbm>>
    %dma_start3A_44 = tpu.memref_slice %arg2[%multiple_of3A, %multiple_of3A_43] : memref<64x65536xf32, #tpu.memory_space<hbm>> -> memref<8x512xf32, #tpu.memory_space<hbm>>
    tpu.enqueue_dma source(%dma_start3A_44 : memref<8x512xf32, #tpu.memory_space<hbm>>) target(%arg4 : memref<8x512xf32, #tpu.memory_space<vmem>>) target_semaphore(%arg8 : memref<!tpu.dma_semaphore, #tpu.memory_space<semaphore_mem>>)
    %add3A_45 = arith.constant 512 : i32
    %add3A_46 = arith.addi %mul3A_34, %add3A_45 : i32
    %multiple_of3A_47 = tpu.assume_multiple %add3A_46, 512 : i32
    %dma_start3A_48 = tpu.memref_slice %arg2[%multiple_of3A, %multiple_of3A_47] : memref<64x65536xf32, #tpu.memory_space<hbm>> -> memref<8x512xf32, #tpu.memory_space<hbm>>
    %dma_start3A_49 = tpu.memref_slice %arg2[%multiple_of3A, %multiple_of3A_47] : memref<64x65536xf32, #tpu.memory_space<hbm>> -> memref<8x512xf32, #tpu.memory_space<hbm>>
    tpu.enqueue_dma source(%dma_start3A_49 : memref<8x512xf32, #tpu.memory_space<hbm>>) target(%arg5 : memref<8x512xf32, #tpu.memory_space<vmem>>) target_semaphore(%arg9 : memref<!tpu.dma_semaphore, #tpu.memory_space<semaphore_mem>>)
    %scan3A = arith.constant 0 : i32
    %scan3A_50 = arith.constant 0 : i32
    %scan3A_51 = arith.constant 16 : i32
    %scan3A_52 = arith.addi %scan3A_50, %scan3A_51 : i32
    %scan3A_53 = arith.constant 1 : i32
    scf.for %scan3A_68 = %scan3A_50 to %scan3A_52 step %scan3A_53  : i32 {
      %mul3A_69 = arith.constant 2 : i32
      %mul3A_70 = arith.muli %mul3A_69, %scan3A_68 : i32
      %add3A_71 = arith.constant 0 : i32
      %add3A_72 = arith.addi %mul3A_70, %add3A_71 : i32
      %ge3A = arith.constant 2 : i32
      %ge3A_73 = arith.cmpi sge, %add3A_72, %ge3A : i32
      %convert_element_type3A = arith.extui %ge3A_73 : i1 to i32
      %cond3A = arith.constant 0 : i32
      %cond3A_74 = arith.cmpi ne, %convert_element_type3A, %cond3A : i32
      scf.if %cond3A_74 {
        %mul3A_132 = arith.constant 512 : i32
        %mul3A_133 = arith.muli %add3A_72, %mul3A_132 : i32
        %add3A_134 = arith.addi %mul3A_34, %mul3A_133 : i32
        %mul3A_135 = arith.constant 4 : i32
        %mul3A_136 = arith.muli %add3A_134, %mul3A_135 : i32
        %multiple_of3A_137 = tpu.assume_multiple %mul3A_136, 2048 : i32
        %dma_wait3A_138 = tpu.memref_slice %arg3[%multiple_of3A, %multiple_of3A_137] : memref<64x262144xf32, #tpu.memory_space<hbm>> -> memref<8x2048xf32, #tpu.memory_space<hbm>>
        %dma_wait3A_139 = tpu.memref_slice %arg3[%multiple_of3A, %multiple_of3A_137] : memref<64x262144xf32, #tpu.memory_space<hbm>> -> memref<8x2048xf32, #tpu.memory_space<hbm>>
        tpu.wait_dma2 semaphore(%arg10 : memref<!tpu.dma_semaphore, #tpu.memory_space<semaphore_mem>>) src(%arg6 : memref<8x2048xf32, #tpu.memory_space<vmem>>) dst(%dma_wait3A_139 : memref<8x2048xf32, #tpu.memory_space<hbm>>)
      } else {
      }
      %mul3A_75 = arith.constant 512 : i32
      %mul3A_76 = arith.muli %add3A_72, %mul3A_75 : i32
      %add3A_77 = arith.addi %mul3A_34, %mul3A_76 : i32
      %multiple_of3A_78 = tpu.assume_multiple %add3A_77, 512 : i32
      %dma_wait3A_79 = tpu.memref_slice %arg2[%multiple_of3A, %multiple_of3A_78] : memref<64x65536xf32, #tpu.memory_space<hbm>> -> memref<8x512xf32, #tpu.memory_space<hbm>>
      %dma_wait3A_80 = tpu.memref_slice %arg2[%multiple_of3A, %multiple_of3A_78] : memref<64x65536xf32, #tpu.memory_space<hbm>> -> memref<8x512xf32, #tpu.memory_space<hbm>>
      tpu.wait_dma2 semaphore(%arg8 : memref<!tpu.dma_semaphore, #tpu.memory_space<semaphore_mem>>) src(%dma_wait3A_80 : memref<8x512xf32, #tpu.memory_space<hbm>>) dst(%arg4 : memref<8x512xf32, #tpu.memory_space<vmem>>)
      %parallel_loop3A_81 = arith.constant 0 : i32
      %parallel_loop3A_82 = arith.constant 256 : i32
      %parallel_loop3A_83 = arith.constant 1 : i32
      scf.for %parallel_loop3A_132 = %parallel_loop3A_81 to %parallel_loop3A_82 step %parallel_loop3A_83  : i32 {
        %parallel_loop3A_133 = arith.constant 6 : i32
        %parallel_loop3A_134 = arith.shrui %parallel_loop3A_132, %parallel_loop3A_133 : i32
        %parallel_loop3A_135 = arith.constant 31 : i32
        %parallel_loop3A_136 = arith.andi %parallel_loop3A_132, %parallel_loop3A_135 : i32
        %parallel_loop3A_137 = arith.constant 4 : i32
        %parallel_loop3A_138 = arith.shli %parallel_loop3A_136, %parallel_loop3A_137 : i32
        %parallel_loop3A_139 = tpu.assume_multiple %parallel_loop3A_138, 16 : i32
        %parallel_loop3A_140 = arith.index_cast %parallel_loop3A_134 : i32 to index
        %parallel_loop3A_141 = arith.index_cast %parallel_loop3A_139 : i32 to index
        %parallel_loop3A_142 = tpu.vector_load %arg4[%parallel_loop3A_140, %parallel_loop3A_141] {strides = array<i32>} : memref<8x512xf32, #tpu.memory_space<vmem>>, vector<16xf32>,
        %parallel_loop3A_143 = vector.broadcast %parallel_loop3A_134 : i32 to vector<16xi32>
        %parallel_loop3A_144 = arith.constant 4 : i32
        %parallel_loop3A_145 = arith.muli %parallel_loop3A_139, %parallel_loop3A_144 : i32
        %parallel_loop3A_146 = vector.broadcast %parallel_loop3A_145 : i32 to vector<16xi32>
        %parallel_loop3A_147 = arith.addi %mul3A_40, %parallel_loop3A_146 : vector<16xi32>
        tpu.vector_store_idx %arg6[%parallel_loop3A_143, %parallel_loop3A_147], %parallel_loop3A_142 : memref<8x2048xf32, #tpu.memory_space<vmem>>[vector<16xi32>, vector<16xi32>], vector<16xf32>,
      } {sc.loop_unroll_factor = 8 : i64, sc.parallel_access}
      %add3A_84 = arith.constant 2 : i32
      %add3A_85 = arith.addi %add3A_72, %add3A_84 : i32
      %lt3A_86 = arith.constant 32 : i32
      %lt3A_87 = arith.cmpi slt, %add3A_85, %lt3A_86 : i32
      %convert_element_type3A_88 = arith.extui %lt3A_87 : i1 to i32
      %cond3A_89 = arith.constant 0 : i32
      %cond3A_90 = arith.cmpi ne, %convert_element_type3A_88, %cond3A_89 : i32
      scf.if %cond3A_90 {
        %add3A_132 = arith.constant 2 : i32
        %add3A_133 = arith.addi %add3A_72, %add3A_132 : i32
        %mul3A_134 = arith.constant 512 : i32
        %mul3A_135 = arith.muli %add3A_133, %mul3A_134 : i32
        %add3A_136 = arith.addi %mul3A_34, %mul3A_135 : i32
        %multiple_of3A_137 = tpu.assume_multiple %add3A_136, 512 : i32
        %dma_start3A_138 = tpu.memref_slice %arg2[%multiple_of3A, %multiple_of3A_137] : memref<64x65536xf32, #tpu.memory_space<hbm>> -> memref<8x512xf32, #tpu.memory_space<hbm>>
        %dma_start3A_139 = tpu.memref_slice %arg2[%multiple_of3A, %multiple_of3A_137] : memref<64x65536xf32, #tpu.memory_space<hbm>> -> memref<8x512xf32, #tpu.memory_space<hbm>>
        tpu.enqueue_dma source(%dma_start3A_139 : memref<8x512xf32, #tpu.memory_space<hbm>>) target(%arg4 : memref<8x512xf32, #tpu.memory_space<vmem>>) target_semaphore(%arg8 : memref<!tpu.dma_semaphore, #tpu.memory_space<semaphore_mem>>)
      } else {
      }
      %mul3A_91 = arith.constant 512 : i32
      %mul3A_92 = arith.muli %add3A_72, %mul3A_91 : i32
      %add3A_93 = arith.addi %mul3A_34, %mul3A_92 : i32
      %mul3A_94 = arith.constant 4 : i32
      %mul3A_95 = arith.muli %add3A_93, %mul3A_94 : i32
      %multiple_of3A_96 = tpu.assume_multiple %mul3A_95, 2048 : i32
      %dma_start3A_97 = tpu.memref_slice %arg3[%multiple_of3A, %multiple_of3A_96] : memref<64x262144xf32, #tpu.memory_space<hbm>> -> memref<8x2048xf32, #tpu.memory_space<hbm>>
      %dma_start3A_98 = tpu.memref_slice %arg3[%multiple_of3A, %multiple_of3A_96] : memref<64x262144xf32, #tpu.memory_space<hbm>> -> memref<8x2048xf32, #tpu.memory_space<hbm>>
      tpu.enqueue_dma source(%arg6 : memref<8x2048xf32, #tpu.memory_space<vmem>>) target(%dma_start3A_98 : memref<8x2048xf32, #tpu.memory_space<hbm>>) target_semaphore(%arg10 : memref<!tpu.dma_semaphore, #tpu.memory_space<semaphore_mem>>)
      %mul3A_99 = arith.constant 2 : i32
      %mul3A_100 = arith.muli %mul3A_99, %scan3A_68 : i32
      %add3A_101 = arith.constant 1 : i32
      %add3A_102 = arith.addi %mul3A_100, %add3A_101 : i32
      %ge3A_103 = arith.constant 2 : i32
      %ge3A_104 = arith.cmpi sge, %add3A_102, %ge3A_103 : i32
      %convert_element_type3A_105 = arith.extui %ge3A_104 : i1 to i32
      %cond3A_106 = arith.constant 0 : i32
      %cond3A_107 = arith.cmpi ne, %convert_element_type3A_105, %cond3A_106 : i32
      scf.if %cond3A_107 {
        %mul3A_132 = arith.constant 512 : i32
        %mul3A_133 = arith.muli %add3A_102, %mul3A_132 : i32
        %add3A_134 = arith.addi %mul3A_34, %mul3A_133 : i32
        %mul3A_135 = arith.constant 4 : i32
        %mul3A_136 = arith.muli %add3A_134, %mul3A_135 : i32
        %multiple_of3A_137 = tpu.assume_multiple %mul3A_136, 2048 : i32
        %dma_wait3A_138 = tpu.memref_slice %arg3[%multiple_of3A, %multiple_of3A_137] : memref<64x262144xf32, #tpu.memory_space<hbm>> -> memref<8x2048xf32, #tpu.memory_space<hbm>>
        %dma_wait3A_139 = tpu.memref_slice %arg3[%multiple_of3A, %multiple_of3A_137] : memref<64x262144xf32, #tpu.memory_space<hbm>> -> memref<8x2048xf32, #tpu.memory_space<hbm>>
        tpu.wait_dma2 semaphore(%arg11 : memref<!tpu.dma_semaphore, #tpu.memory_space<semaphore_mem>>) src(%arg7 : memref<8x2048xf32, #tpu.memory_space<vmem>>) dst(%dma_wait3A_139 : memref<8x2048xf32, #tpu.memory_space<hbm>>)
      } else {
      }
      %mul3A_108 = arith.constant 512 : i32
      %mul3A_109 = arith.muli %add3A_102, %mul3A_108 : i32
      %add3A_110 = arith.addi %mul3A_34, %mul3A_109 : i32
      %multiple_of3A_111 = tpu.assume_multiple %add3A_110, 512 : i32
      %dma_wait3A_112 = tpu.memref_slice %arg2[%multiple_of3A, %multiple_of3A_111] : memref<64x65536xf32, #tpu.memory_space<hbm>> -> memref<8x512xf32, #tpu.memory_space<hbm>>
      %dma_wait3A_113 = tpu.memref_slice %arg2[%multiple_of3A, %multiple_of3A_111] : memref<64x65536xf32, #tpu.memory_space<hbm>> -> memref<8x512xf32, #tpu.memory_space<hbm>>
      tpu.wait_dma2 semaphore(%arg9 : memref<!tpu.dma_semaphore, #tpu.memory_space<semaphore_mem>>) src(%dma_wait3A_113 : memref<8x512xf32, #tpu.memory_space<hbm>>) dst(%arg5 : memref<8x512xf32, #tpu.memory_space<vmem>>)
      %parallel_loop3A_114 = arith.constant 0 : i32
      %parallel_loop3A_115 = arith.constant 256 : i32
      %parallel_loop3A_116 = arith.constant 1 : i32
      scf.for %parallel_loop3A_132 = %parallel_loop3A_114 to %parallel_loop3A_115 step %parallel_loop3A_116  : i32 {
        %parallel_loop3A_133 = arith.constant 6 : i32
        %parallel_loop3A_134 = arith.shrui %parallel_loop3A_132, %parallel_loop3A_133 : i32
        %parallel_loop3A_135 = arith.constant 31 : i32
        %parallel_loop3A_136 = arith.andi %parallel_loop3A_132, %parallel_loop3A_135 : i32
        %parallel_loop3A_137 = arith.constant 4 : i32
        %parallel_loop3A_138 = arith.shli %parallel_loop3A_136, %parallel_loop3A_137 : i32
        %parallel_loop3A_139 = tpu.assume_multiple %parallel_loop3A_138, 16 : i32
        %parallel_loop3A_140 = arith.index_cast %parallel_loop3A_134 : i32 to index
        %parallel_loop3A_141 = arith.index_cast %parallel_loop3A_139 : i32 to index
        %parallel_loop3A_142 = tpu.vector_load %arg5[%parallel_loop3A_140, %parallel_loop3A_141] {strides = array<i32>} : memref<8x512xf32, #tpu.memory_space<vmem>>, vector<16xf32>,
        %parallel_loop3A_143 = vector.broadcast %parallel_loop3A_134 : i32 to vector<16xi32>
        %parallel_loop3A_144 = arith.constant 4 : i32
        %parallel_loop3A_145 = arith.muli %parallel_loop3A_139, %parallel_loop3A_144 : i32
        %parallel_loop3A_146 = vector.broadcast %parallel_loop3A_145 : i32 to vector<16xi32>
        %parallel_loop3A_147 = arith.addi %mul3A_40, %parallel_loop3A_146 : vector<16xi32>
        tpu.vector_store_idx %arg7[%parallel_loop3A_143, %parallel_loop3A_147], %parallel_loop3A_142 : memref<8x2048xf32, #tpu.memory_space<vmem>>[vector<16xi32>, vector<16xi32>], vector<16xf32>,
      } {sc.loop_unroll_factor = 8 : i64, sc.parallel_access}
      %add3A_117 = arith.constant 2 : i32
      %add3A_118 = arith.addi %add3A_102, %add3A_117 : i32
      %lt3A_119 = arith.constant 32 : i32
      %lt3A_120 = arith.cmpi slt, %add3A_118, %lt3A_119 : i32
      %convert_element_type3A_121 = arith.extui %lt3A_120 : i1 to i32
      %cond3A_122 = arith.constant 0 : i32
      %cond3A_123 = arith.cmpi ne, %convert_element_type3A_121, %cond3A_122 : i32
      scf.if %cond3A_123 {
        %add3A_132 = arith.constant 2 : i32
        %add3A_133 = arith.addi %add3A_102, %add3A_132 : i32
        %mul3A_134 = arith.constant 512 : i32
        %mul3A_135 = arith.muli %add3A_133, %mul3A_134 : i32
        %add3A_136 = arith.addi %mul3A_34, %mul3A_135 : i32
        %multiple_of3A_137 = tpu.assume_multiple %add3A_136, 512 : i32
        %dma_start3A_138 = tpu.memref_slice %arg2[%multiple_of3A, %multiple_of3A_137] : memref<64x65536xf32, #tpu.memory_space<hbm>> -> memref<8x512xf32, #tpu.memory_space<hbm>>
        %dma_start3A_139 = tpu.memref_slice %arg2[%multiple_of3A, %multiple_of3A_137] : memref<64x65536xf32, #tpu.memory_space<hbm>> -> memref<8x512xf32, #tpu.memory_space<hbm>>
        tpu.enqueue_dma source(%dma_start3A_139 : memref<8x512xf32, #tpu.memory_space<hbm>>) target(%arg5 : memref<8x512xf32, #tpu.memory_space<vmem>>) target_semaphore(%arg9 : memref<!tpu.dma_semaphore, #tpu.memory_space<semaphore_mem>>)
      } else {
      }
      %mul3A_124 = arith.constant 512 : i32
      %mul3A_125 = arith.muli %add3A_102, %mul3A_124 : i32
      %add3A_126 = arith.addi %mul3A_34, %mul3A_125 : i32
      %mul3A_127 = arith.constant 4 : i32
      %mul3A_128 = arith.muli %add3A_126, %mul3A_127 : i32
      %multiple_of3A_129 = tpu.assume_multiple %mul3A_128, 2048 : i32
      %dma_start3A_130 = tpu.memref_slice %arg3[%multiple_of3A, %multiple_of3A_129] : memref<64x262144xf32, #tpu.memory_space<hbm>> -> memref<8x2048xf32, #tpu.memory_space<hbm>>
      %dma_start3A_131 = tpu.memref_slice %arg3[%multiple_of3A, %multiple_of3A_129] : memref<64x262144xf32, #tpu.memory_space<hbm>> -> memref<8x2048xf32, #tpu.memory_space<hbm>>
      tpu.enqueue_dma source(%arg7 : memref<8x2048xf32, #tpu.memory_space<vmem>>) target(%dma_start3A_131 : memref<8x2048xf32, #tpu.memory_space<hbm>>) target_semaphore(%arg11 : memref<!tpu.dma_semaphore, #tpu.memory_space<semaphore_mem>>)
    }
    %scan3A_54 = arith.constant 16 : i32
    %add3A_55 = arith.constant 15360 : i32
    %add3A_56 = arith.addi %mul3A_34, %add3A_55 : i32
    %mul3A_57 = arith.constant 4 : i32
    %mul3A_58 = arith.muli %add3A_56, %mul3A_57 : i32
    %multiple_of3A_59 = tpu.assume_multiple %mul3A_58, 2048 : i32
    %dma_wait3A = tpu.memref_slice %arg3[%multiple_of3A, %multiple_of3A_59] : memref<64x262144xf32, #tpu.memory_space<hbm>> -> memref<8x2048xf32, #tpu.memory_space<hbm>>
    %dma_wait3A_60 = tpu.memref_slice %arg3[%multiple_of3A, %multiple_of3A_59] : memref<64x262144xf32, #tpu.memory_space<hbm>> -> memref<8x2048xf32, #tpu.memory_space<hbm>>
    tpu.wait_dma2 semaphore(%arg10 : memref<!tpu.dma_semaphore, #tpu.memory_space<semaphore_mem>>) src(%arg6 : memref<8x2048xf32, #tpu.memory_space<vmem>>) dst(%dma_wait3A_60 : memref<8x2048xf32, #tpu.memory_space<hbm>>)
    %add3A_61 = arith.constant 15872 : i32
    %add3A_62 = arith.addi %mul3A_34, %add3A_61 : i32
    %mul3A_63 = arith.constant 4 : i32
    %mul3A_64 = arith.muli %add3A_62, %mul3A_63 : i32
    %multiple_of3A_65 = tpu.assume_multiple %mul3A_64, 2048 : i32
    %dma_wait3A_66 = tpu.memref_slice %arg3[%multiple_of3A, %multiple_of3A_65] : memref<64x262144xf32, #tpu.memory_space<hbm>> -> memref<8x2048xf32, #tpu.memory_space<hbm>>
    %dma_wait3A_67 = tpu.memref_slice %arg3[%multiple_of3A, %multiple_of3A_65] : memref<64x262144xf32, #tpu.memory_space<hbm>> -> memref<8x2048xf32, #tpu.memory_space<hbm>>
    tpu.wait_dma2 semaphore(%arg11 : memref<!tpu.dma_semaphore, #tpu.memory_space<semaphore_mem>>) src(%arg7 : memref<8x2048xf32, #tpu.memory_space<vmem>>) dst(%dma_wait3A_67 : memref<8x2048xf32, #tpu.memory_space<hbm>>)
    return
  }
}

</mosaic_0001>

<sc_bundles>
// kernel: kernel.3.cloned.1.call-start
scs
__scs_entry_jumppad:
0x0: {  	(pc) =	sbr.rel $0x88, $3  }
0x1: {  	(tag) =	ssettag $0x0;
	lr =	simm.s32 $0x1  }
0x2: {  	[smem:$0x3FA0] =	sst lr;
	_ =	strace $0xD0000000  }
0x3: {  	_ = 	snop  }
0x4: {  	_ = 	snop  }
0x5: {  	_ = 	snop  }
0x6: {  	_ = 	snop  }
0x7: {  	_ = 	snop  }
__scs_overlays_trampoline_lowered:
0x8: {  	[smem:$0x3FAF] =	sst s0  }
0x9: {  	[smem:$0x3FB0] =	sst s1  }
0xa: {  	[smem:$0x3FB1] =	sst s2  }
0xb: {  	[smem:$0x3FB2] =	sst s3  }
0xc: {  	[smem:$0x3FB3] =	sst s4  }
0xd: {  	[smem:$0x3FB4] =	sst s5  }
0xe: {  	[smem:$0x3FB5] =	sst s6  }
0xf: {  	[smem:$0x3FB6] =	sst s7  }
0x10: {  	[smem:$0x3FB7] =	sst s8  }
0x11: {  	[smem:$0x3FB8] =	sst s9;
	s0 =	simm.s32 @!p0 $0x0  }
0x12: {  	s1 =	sld [smem:$0x3F9E];
	s0 =	simm.s32 @p0 $0x1  }
0x13: {  	[smem:$0x3FB9] =	sst s0;
	s0 =	simm.s32 @!p1 $0x0  }
0x14: {  	s2 =	sld [smem:$0x3F9D];
	s0 =	simm.s32 @p1 $0x1  }
0x15: {  	[smem:$0x3FBA] =	sst s0;
	s0 =	simm.s32 @!p2 $0x0  }
0x16: {  	s3 =	sld [smem:$0x3FDB];
	s0 =	simm.s32 @p2 $0x1  }
0x17: {  	s4 =	simm.s32 $0x1BF5;
	[smem:$0x3FBC] =	sst s0  }
0x18: {  	s0 =	sld [smem:$0x3F9F];
	_ =	swait.ge [sflag:s4], $0x0  }
0x19: {  	s7 =	sld [smem:$0x3FA0]  }
0x1a: {  	s8 =	sadd.s32 $0xFFFFE003, lr  }
0x1b: {  	s9 =	sadd.s32 $0xFFFFFEF7, lr;
	s5 =	simm.s32 $0xFFFFFFFF;
	p2 =	slt.u32 s8, $0xFFFFF086  }
0x1c: {  	p1 =	slt.u32 s9, $0xF7A;
	s5 =	simm.s32 @!p2 $0x0  }
0x1d: {  	s5 =	simm.s32 @p1 $0x1;
	p0 =	seq.s32 s7, s2  }
0x1e: {  	s7 =	smul.u32 @!p0 $0xF7A, s2;
	p2 =	seq.s32 @!p0 s5, $0x0  }
0x1f: {  	s9 =	smul.u32 $0xF7A, s1;
	s8 =	simm.s32 @!p0 $0x1BF5;
	p2 =	por !p2, p0  }
0x20: {  	[sflag:s8] =	ssyncset.s32 @!p0 $0xFFFFF086;
	s6 =	sadd.s32 @!p0 s3, s7;
	s7 =	simm.s32 @!p0 $0x108  }
0x21: {  	s3 =	sadd.s32 s3, s9;
	s6 =	sadd.s32 @!p0 $0x88, s6;
	s7 =	simm.s32 @p2 $0x1082  }
0x22: {  	[simem:s7], [sflag:s8] =	dma.local @!p0 [hbm:s6], $0xF7A  }
0x23: {  	s9 =	sor.u32 $0xD0000000, s2;
	s6 =	simm.s32 $0x108;
	_ =	swait.ge @!p0 [sflag:s8], $0x0  }
0x24: {  	s3 =	sadd.s32 $0x88, s3;
	s6 =	simm.s32 @!p1 $0x1082;
	[sflag:s4] =	ssyncset.s32 $0xFFFFF086  }
0x25: {  	[simem:s6], [sflag:s4] =	dma.local [hbm:s3], $0xF7A  }
0x26: {  	[smem:$0x3FA0] =	sst s1;
	(tag) =	ssettag s2;
	_ =	strace s9  }
0x27: {  	s1 =	sld [smem:$0x3FB0]  }
0x28: {  	s2 =	sld [smem:$0x3FB1]  }
0x29: {  	s4 =	sld [smem:$0x3FB3]  }
0x2a: {  	p0 =	seq.s32 s5, $0x0;
	s5 =	sld [smem:$0x3FB4]  }
0x2b: {  	s6 =	sld [smem:$0x3FB5]  }
0x2c: {  	s7 =	sld [smem:$0x3FB6]  }
0x2d: {  	s3 =	simm.s32 $0x108;
	s8 =	sld [smem:$0x3FB7]  }
0x2e: {  	s3 =	simm.s32 @!p0 $0x1082;
	s9 =	sld [smem:$0x3FB8]  }
0x2f: {  	lr =	sadd.s32 s0, s3;
	s0 =	sld [smem:$0x3FAF]  }
0x30: {  	s3 =	sld [smem:$0x3FB2]  }
0x31: {  	[smem:$0x3FBB] =	sst s10  }
0x32: {  	s10 =	sld [smem:$0x3FB9];
	_ =	sdelay $0x3  }
0x33: {  	p0 =	seq.s32 s10, $0x1;
	s10 =	sld [smem:$0x3FBB];
	_ =	sdelay $0x3  }
0x34: {  	[smem:$0x3FBB] =	sst s10  }
0x35: {  	s10 =	sld [smem:$0x3FBA];
	_ =	sdelay $0x3  }
0x36: {  	p1 =	seq.s32 s10, $0x1;
	s10 =	sld [smem:$0x3FBB];
	_ =	sdelay $0x3  }
0x37: {  	[smem:$0x3FBB] =	sst s10  }
0x38: {  	s10 =	sld [smem:$0x3FBC]  }
0x39: {  	_ = 	snop;
	(pc) =	sbr.ind lr, $3  }
0x3a: {  	_ = 	snop  }
0x3b: {  	_ = 	snop  }
0x3c: {  	p2 =	seq.s32 s10, $0x1;
	s10 =	sld [smem:$0x3FBB]  }
0x3d: {  	_ =	shalt  }
0x3e: {  	_ =	shalt  }
0x3f: {  	_ =	shalt  }
0x40: {  	_ =	shalt  }
0x41: {  	_ =	shalt  }
0x42: {  	_ =	shalt  }
0x43: {  	_ =	shalt  }
0x44: {  	_ =	shalt  }
0x45: {  	_ =	shalt  }
0x46: {  	_ =	shalt  }
0x47: {  	_ =	shalt  }
0x48: {  	_ =	shalt  }
0x49: {  	_ =	shalt  }
0x4a: {  	_ =	shalt  }
0x4b: {  	_ =	shalt  }
0x4c: {  	_ =	shalt  }
0x4d: {  	_ =	shalt  }
0x4e: {  	_ =	shalt  }
0x4f: {  	_ =	shalt  }
0x50: {  	_ =	shalt  }
0x51: {  	_ =	shalt  }
0x52: {  	_ =	shalt  }
0x53: {  	_ =	shalt  }
0x54: {  	_ =	shalt  }
0x55: {  	_ =	shalt  }
0x56: {  	_ =	shalt  }
0x57: {  	_ =	shalt  }
0x58: {  	_ =	shalt  }
0x59: {  	_ =	shalt  }
0x5a: {  	_ =	shalt  }
0x5b: {  	_ =	shalt  }
0x5c: {  	_ =	shalt  }
0x5d: {  	_ =	shalt  }
0x5e: {  	_ =	shalt  }
0x5f: {  	_ =	shalt  }
0x60: {  	_ =	shalt  }
0x61: {  	_ =	shalt  }
0x62: {  	_ =	shalt  }
0x63: {  	_ =	shalt  }
0x64: {  	_ =	shalt  }
0x65: {  	_ =	shalt  }
0x66: {  	_ =	shalt  }
0x67: {  	_ =	shalt  }
0x68: {  	_ =	shalt  }
0x69: {  	_ =	shalt  }
0x6a: {  	_ =	shalt  }
0x6b: {  	_ =	shalt  }
0x6c: {  	_ =	shalt  }
0x6d: {  	_ =	shalt  }
0x6e: {  	_ =	shalt  }
0x6f: {  	_ =	shalt  }
0x70: {  	_ =	shalt  }
0x71: {  	_ =	shalt  }
0x72: {  	_ =	shalt  }
0x73: {  	_ =	shalt  }
0x74: {  	_ =	shalt  }
0x75: {  	_ =	shalt  }
0x76: {  	_ =	shalt  }
0x77: {  	_ =	shalt  }
0x78: {  	_ =	shalt  }
0x79: {  	_ =	shalt  }
0x7a: {  	_ =	shalt  }
0x7b: {  	_ =	shalt  }
0x7c: {  	_ =	shalt  }
0x7d: {  	_ =	shalt  }
0x7e: {  	_ =	shalt  }
0x7f: {  	_ =	shalt  }
0x80: {  	_ =	shalt  }
0x81: {  	_ =	shalt  }
0x82: {  	_ =	shalt  }
0x83: {  	_ =	shalt  }
0x84: {  	_ =	shalt  }
0x85: {  	_ =	shalt  }
0x86: {  	_ =	shalt  }
0x87: {  	_ =	shalt  }
.Lfunc_end0:
.L_simem_size_0:
called_computation_lowered:
.L_overlay_start_0:
0x88: {  	s2 =	sld [smem:$0x3FD9]  }
0x89: {  	s3 =	sld [smem:$0x3FFE];
	_ =	sdelay $0x1  }
0x8a: {  	s1 =	srdreg.scid  }
0x8b: {  	s0 =	sand.u32 $0x1, s1  }
0x8c: {  	s18 =	sshll.u32 s0, $0xA;
	s2 =	sadd.s32 s3, s2  }
0x8d: {  	s2 =	sadd.s32 s2, s18  }
0x8e: {  	[smem:$0x3FC7] =	sst s2  }
0x8f: {  	_ = 	snop  }
0x90: {  	s2 =	sld [smem:$0x3FC9]  }
0x91: {  	s19 =	sld [smem:$0x3FD0];
	(tm) =	ssettm $0x1  }
0x92: {  	s4 =	sld [smem:$0x3FFB];
	_ =	sdelay $0x3  }
0x93: {  	_ =	strace s4  }
0x94: {  	s4 =	sld [smem:$0x3FFC];
	_ =	sdelay $0x3  }
0x95: {  	_ =	strace s4  }
0x96: {  	s4 =	sld [smem:$0x3FFD];
	_ =	sdelay $0x3  }
0x97: {  	_ =	strace s4  }
0x98: {  	_ =	strace $0x8FFFFFFF  }
0x99: {  	s20 =	sld [smem:$0x3FDB];
	_ =	sdelay $0x1  }
0x9a: {  	s5 =	simm.s32 $_scs_section_size  }
0x9b: {  	s6 =	simm.s32 $_size__tile_overlayer_lowered;
	s7 =	simm.s32 $_tile_overlayer_lowered  }
0x9c: {  	s23 =	simm.s32 $0x1BFF;
	s22 =	sshll.u32 s7, $0x1;
	s4 =	sadd.s32 s5, s20  }
0x9d: {  	s8 =	simm.s32 $0x0;
	s21 =	sshll.u32 s6, $0x1;
	s6 =	sadd.s32 s22, s4  }
0x9e: {  	[timem:s8], [sflag:s23] =	dma.local [hbm:s6], s21  }
0x9f: {  	_ =	swait.ge [sflag:s23], s21  }
0xa0: {  	s5 =	ssub.s32 $0x0, s21;
	[sflag:s23] =	ssyncset.done $0x0  }
0xa1: {  	[sflag:s23] =	ssyncadd.s32 s5;
	_ =	sdelay $0x1  }
0xa2: {  	s24 =	simm.s32 $0x1B8B  }
0xa3: {  	_ =	swait.ge [sflag:s24], $0x1  }
0xa4: {  	[sflag:s24] =	ssyncset.done $0x0  }
0xa5: {  	s25 =	simm.s32 $0x1B8E;
	[sflag:s24] =	ssyncadd.s32 $0xFFFFFFFF  }
0xa6: {  	s26 =	simm.s32 $execute0_lowered;
	[smem:$0x3FD2] =	sst s25  }
0xa7: {  	s5 =	sshll.u32 s26, $0x1;
	_ =	strace $0x80000046;
	[dreg:$0x1] =	wrdreg $0xFFFFFFFF  }
0xa8: {  	s28 =	simm.s32 $_size_execute0_lowered;
	s4 =	sadd.s32 s4, s5;
	[dreg:$0x0] =	wrdreg $0x0  }
0xa9: {  	s5 =	sshll.u32 s28, $0x1;
	[dreg:$0x2] =	wrdreg s4  }
0xaa: {  	[dreg:$0x3] =	wrdreg s5  }
0xab: {  	[dreg:$0x4] =	wrdreg $0xC0  }
0xac: {  	_ =	task [dreg:s8], $0x5FFFF  }
0xad: {  	[dreg:$0x1] =	wrdreg $0xFFFFFFFF  }
0xae: {  	[dreg:$0x0] =	wrdreg $0x60  }
0xaf: {  	[dreg:$0x2] =	wrdreg s2  }
0xb0: {  	[dreg:$0x3] =	wrdreg s19  }
0xb1: {  	[dreg:$0x4] =	wrdreg $0x9  }
0xb2: {  	_ =	task.clear_ibuf [dreg:s8], $0x5FFFF;
	_ =	strace $0x90000046  }
0xb3: {  	s29 =	simm.s32 $0x9;
	_ =	strace $0x80000048  }
0xb4: {  	_ =	swait.ge [sflag:s29], $0x1  }
0xb5: {  	[sflag:s29] =	ssyncadd.s32 $0xFFFFFFFF  }
0xb6: {  	_ =	strace $0x90000048  }
0xb7: {  	_ =	sfence  }
0xb8: {  	s30 =	sld [smem:$0x0];
	_ =	sdelay $0x2  }
0xb9: {  	s31 =	sshll.u32 s1, $0xD;
	s1 =	sshrl.u32 s1, $0x2  }
0xba: {  	s3 =	sand.u32 $0x4000, s31;
	s1 =	sadd.s32 s1, s30  }
0xbb: {  	s0 =	sor.u32 s3, s0;
	s1 =	sshll.u32 s1, $0x11  }
0xbc: {  	s0 =	sor.u32 s1, s0  }
0xbd: {  	s0 =	sadd.s32 $0x8F2B, s0  }
0xbe: {  	[sflag:s0] =	ssyncadd.remote.s32 $0x1  }
0xbf: {  	_ =	sfence.sel $0xFFFF  }
0xc0: {  	[dreg:$0x0] =	wrdreg $0xFFFFFFFF;
	(pc) =	sbr.abs _section_cstart, $3  }
0xc1: {  	[dreg:$0x1] =	wrdreg $0xFFFFFFFF  }
0xc2: {  	_ =	task.clear_ibuf [dreg:s8], $0x2FFFF;
	_ =	strace $0x9FFFFFFF  }
0xc3: {  	(tm) =	ssettm $0x7FFFFFFF  }
tec
execute0_lowered:
.L_overlay_start_1:
0x0: {  	(tag) =	ssettag $0x1  }
0x1: {  	s2 =	rddreg [dreg:$0x0];
	s0 =	stileid.u32  }
0x2: {  	s3 =	rddreg [dreg:$0x1];
	s4 =	srdreg.scid  }
0x3: {  	s14 =	simm.s32 $0x2000;
	s15 =	simm.s32 $0x2;
	s16 =	simm.s32 $0x6000  }
0x4: {  	s17 =	simm.s32 $0x3;
	s18 =	simm.s32 $0x4;
	s19 =	simm.s32 $0x0  }
0x5: {  	s5 =	sshll.u32 s0, $0x1;
	s6 =	sand.u32 $0x1, s4;
	s4 =	simm.s32 $0x0  }
0x6: {  	s8 =	sshrl.u32 s0, $0x1;
	s5 =	sand.u32 $0x2, s5;
	[smem:$0x7FF] =	sst s4  }
0x7: {  	s29 =	sshll.u32 s8, $0x13;
	s31 =	sshll.u32 s8, $0x10;
	s8 =	sshll.u32 s8, $0x15  }
0x8: {  	s9 =	sor.u32 s6, s5;
	_ =	strace $0x80000047;
	s6 =	ssub.s32 $0x2, s6  }
0x9: {  	s7 =	sshll.u32 s9, $0x11;
	s30 =	sshrl.u32 s6, $0x1;
	s12 =	sshll.u32 s9, $0xE  }
0xa: {  	s9 =	sshll.u32 s9, $0x13;
	s10 =	sor.u32 s7, s29;
	s7 =	sadd.s32 s2, s31  }
0xb: {  	v0 =	vlaneseq.u32;
	s13 =	ssub.s32 s6, s30;
	s8 =	sor.u32 s8, s9;
	s11 =	sshrl.u32 s10, $0x3  }
0xc: {  	v0 =	vmul.u32 $0x4, v0;
	s5 =	sadd.s32 s12, s7;
	s7 =	sor.u32 $0x2000, s10;
	s9 =	sor.u32 $0x3000, s10  }
0xd: {  	v2 =	vimm.s32 $0x0;
	vm0 =	vcmask $0x300;
	s10 =	smax.u32 s13, $0x1;
	s12 =	simm.s32 $0x1000;
	s11 =	sadd.s32 s11, s2  }
0xe: {  	v1 =	vimm.f32 $0.0e+00;
	v2 =	vsel vm0, $0xA, v2;
	v3 =	vor.u32 $0x40, v0;
	s13 =	simm.s32 $0x1;
	s6 =	sadd.s32 $0x200, s11;
	s11 =	sor.u32 $0x4000, s8  }
.LBB2_1:
0xf: {  	s20 =	sand.u32 $0x3C00, s4;
	s21 =	sand.u32 $0x180, s4  }
0x10: {  	s20 =	sor.u32 s21, s20  }
0x11: {  	[tilespmem:s20+$0x6070] =	vst v1  }
0x12: {  	[tilespmem:s20+$0x2000] =	vst v1  }
0x13: {  	[tilespmem:s20+$0x6000] =	vst v1  }
0x14: {  	[tilespmem:s20+$0x2010] =	vst v1  }
0x15: {  	[tilespmem:s20+$0x6010] =	vst v1  }
0x16: {  	[tilespmem:s20+$0x2020] =	vst v1  }
0x17: {  	[tilespmem:s20+$0x6020] =	vst v1  }
0x18: {  	[tilespmem:s20+$0x2030] =	vst v1  }
0x19: {  	[tilespmem:s20+$0x6030] =	vst v1  }
0x1a: {  	[tilespmem:s20+$0x2040] =	vst v1  }
0x1b: {  	[tilespmem:s20+$0x6040] =	vst v1  }
0x1c: {  	[tilespmem:s20+$0x2050] =	vst v1  }
0x1d: {  	[tilespmem:s20+$0x6050] =	vst v1  }
0x1e: {  	s22 =	simm.s32 $0x4;
	s23 =	simm.s32 $0x400;
	s21 =	simm.s32 $0x0;
	[tilespmem:s20+$0x2060] =	vst v1  }
.LBB2_2:
0x1f: {  	s24 =	sand.u32 $0x3C00, s23;
	s25 =	sand.u32 $0x180, s22;
	s21 =	sadd.s32 $0x8, s21;
	[tilespmem:s20+$0x6060] =	vst v1  }
0x20: {  	p0 =	slt.u32 s21, $0x3F8;
	[tilespmem:s20+$0x2070] =	vst v1;
	s20 =	sor.u32 s25, s24  }
0x21: {  	[tilespmem:s20+$0x6070] =	vst v1  }
0x22: {  	[tilespmem:s20+$0x2000] =	vst v1  }
0x23: {  	[tilespmem:s20+$0x6000] =	vst v1  }
0x24: {  	[tilespmem:s20+$0x2010] =	vst v1  }
0x25: {  	[tilespmem:s20+$0x6010] =	vst v1  }
0x26: {  	[tilespmem:s20+$0x2020] =	vst v1  }
0x27: {  	[tilespmem:s20+$0x6020] =	vst v1  }
0x28: {  	[tilespmem:s20+$0x2030] =	vst v1  }
0x29: {  	[tilespmem:s20+$0x6030] =	vst v1  }
.Ltmp0:
0x2a: {  	[tilespmem:s20+$0x2040] =	vst v1;
	(pc) =	sbr.rel @p0 .LBB2_2-.Ltmp0, $4  }
0x2b: {  	[tilespmem:s20+$0x6040] =	vst v1  }
0x2c: {  	[tilespmem:s20+$0x2050] =	vst v1  }
0x2d: {  	[tilespmem:s20+$0x6050] =	vst v1  }
0x2e: {  	s22 =	sadd.s32 $0x4, s22;
	s23 =	sadd.s32 $0x400, s23;
	[tilespmem:s20+$0x2060] =	vst v1  }
0x2f: {  	[tilespmem:s20+$0x6060] =	vst v1  }
0x30: {  	[tilespmem:s20+$0x2070] =	vst v1;
	s20 =	simm.s32 $0x0  }
0x31: {  	[tilespmem:s20], [sflag:$0x1] =	stream.linear.gather [hbm4b:s5+s20], $0x1000, $0x38;
	[tilespmem:$0xA000] =	vst v63  }
0x32: {  	s21 =	simm.s32 $0x0  }
0x33: {  	[tilespmem:s12], [sflag:$0x2] =	stream.linear.gather [hbm4b:s6+s20], $0x1000, $0x38;
	[tilespmem:$0xA000] =	vst v63  }
.LBB2_4:
0x34: {  	s22 =	sand.u32 $0x180, s20  }
0x35: {  	p0 =	seq.s32 s21, $0x0;
	s25 =	simm.s32 $0x0;
	s23 =	sshll.u32 s22, $0x2  }
0x36: {  	s24 =	simm.s32 @!p0 $0x3;
	v5 =	vmov s25;
	s26 =	sor.u32 $0x80, s23  }
0x37: {  	_ =	swait.ge @!p0 [sflag:s24], $0x4000;
	v4 =	vmov s23;
	s28 =	sor.u32 $0x1C0, s23;
	s31 =	sor.u32 $0xC0, s23;
	v5 =	vshll.u32 v5, $0x7  }
0x38: {  	s1 =	sor.u32 $0x100, s23;
	v6 =	vmov s26;
	[sflag:s24] =	ssyncset.done @!p0 $0x0;
	v7 =	vmov s28;
	v8 =	vmov s31  }
0x39: {  	s29 =	sor.u32 $0x140, s23;
	s23 =	sor.u32 $0x180, s23;
	v9 =	vand.u32 $0x380, v5;
	v5 =	vmov s1;
	[sflag:s24] =	ssyncadd.s32 @!p0 $0xFFFFC000;
	v7 =	vshrl.u32 v7, $0x7  }
0x3a: {  	s30 =	simm.s32 $0x0;
	v10 =	vmov s29;
	v11 =	vmov s23;
	_ =	swait.ge [sflag:s13], $0x1000;
	v7 =	vshll.u32 v7, v2  }
0x3b: {  	s22 =	sshll.u32 s22, $0x3;
	s31 =	sand.u32 $0x3FFFFF80, s30;
	v12 =	vshrl.u32 v4, $0x7;
	v6 =	vshrl.u32 v6, $0x7;
	[sflag:s13] =	ssyncset.done $0x0;
	v7 =	vadd.s32 v9, v7  }
0x3c: {  	v8 =	vshrl.u32 v8, $0x7;
	s25 =	sadd.s32 s31, s22;
	v5 =	vshrl.u32 v5, $0x7;
	[sflag:s13] =	ssyncadd.s32 $0xFFFFF000;
	v7 =	vbroadcast v7, $0x0  }
0x3d: {  	v10 =	vshrl.u32 v10, $0x7;
	v11 =	vshrl.u32 v11, $0x7;
	v12 =	vshll.u32 v12, v2;
	v14 =	vld [tilespmem:s25+$0x70]  }
0x3e: {  	v6 =	vshll.u32 v6, v2;
	v13 =	vshll.u32 v5, v2;
	v4 =	vld [tilespmem:s25+$0x0];
	v15 =	vor.u32 v3, v7  }
0x3f: {  	v10 =	vshll.u32 v10, v2;
	v16 =	vshll.u32 v11, v2;
	v7 =	vshll.u32 v8, v2;
	v8 =	vld [tilespmem:s25+$0x10]  }
0x40: {  	v11 =	vor.u32 v9, v12;
	v6 =	vadd.s32 v9, v6;
	v13 =	vadd.s32 v9, v13;
	v5 =	vld [tilespmem:s25+$0x20]  }
0x41: {  	v17 =	vadd.s32 v9, v10;
	v10 =	vbroadcast v6, $0x0;
	v6 =	vld [tilespmem:s25+$0x30];
	v7 =	vadd.s32 v9, v7  }
0x42: {  	v16 =	vadd.s32 v9, v16;
	v13 =	vbroadcast v13, $0x0;
	v9 =	vld [tilespmem:s25+$0x50];
	v12 =	vbroadcast v7, $0x0  }
0x43: {  	s23 =	simm.s32 $0x0;
	s22 =	sshll.u32 s21, $0xD;
	s24 =	simm.s32 $0x80;
	v10 =	vor.u32 v0, v10;
	v7 =	vld [tilespmem:s25+$0x40];
	[tilespmem:v15+s14+$0x0] =	vst.idx.msk $0xffff, v14;
	v15 =	vbroadcast v17, $0x0;
	v14 =	vbroadcast v16, $0x0  }
.LBB2_5:
0x44: {  	s26 =	sand.u32 $0x180, s24;
	v11 =	vbroadcast v11, $0x0;
	v12 =	vor.u32 v3, v12;
	v13 =	vor.u32 v0, v13;
	v16 =	vld [tilespmem:s25+$0x60];
	v17 =	vmovc v8  }
0x45: {  	s23 =	sadd.s32 $0x8, s23;
	s25 =	sshll.u32 s26, $0x2;
	v8 =	vor.u32 v3, v15;
	v14 =	vor.u32 v0, v14  }
0x46: {  	s28 =	sshrl.u32 s23, $0x6;
	v15 =	vmov s25;
	s29 =	sor.u32 $0x80, s25;
	s30 =	sor.u32 $0x1C0, s25;
	v18 =	vor.u32 v0, v11;
	v19 =	vor.u32 v3, v11  }
0x47: {  	v11 =	vmov s28;
	s28 =	sor.u32 $0xC0, s25;
	s31 =	sor.u32 $0x140, s25;
	v20 =	vmov s29;
	s29 =	sor.u32 $0x100, s25;
	v21 =	vmov s30  }
0x48: {  	p1 =	slt.u32 s23, $0xF8;
	v11 =	vshll.u32 v11, $0x7;
	v22 =	vmov s28;
	s25 =	sor.u32 $0x180, s25;
	v21 =	vshrl.u32 v21, $0x7;
	[tilespmem:v10+s14+$0x0] =	vst.idx.msk $0xffff, v5  }
0x49: {  	v10 =	vand.u32 $0x380, v11;
	v5 =	vmov s29;
	v11 =	vshll.u32 v21, v2;
	[tilespmem:v12+s14+$0x0] =	vst.idx.msk $0xffff, v6  }
0x4a: {  	s28 =	sshll.u32 s23, $0x1;
	v6 =	vmov s31;
	v12 =	vmov s25;
	v11 =	vadd.s32 v10, v11;
	[tilespmem:v13+s14+$0x0] =	vst.idx.msk $0xffff, v7  }
0x4b: {  	s25 =	sshll.u32 s26, $0x3;
	s26 =	sand.u32 $0x3FFFFF80, s28;
	v7 =	vshrl.u32 v20, $0x7;
	v13 =	vshrl.u32 v22, $0x7;
	v11 =	vbroadcast v11, $0x0;
	[tilespmem:v8+s14+$0x0] =	vst.idx.msk $0xffff, v9  }
0x4c: {  	v5 =	vshrl.u32 v5, $0x7;
	s25 =	sadd.s32 s26, s25;
	v6 =	vshrl.u32 v6, $0x7;
	v9 =	vshrl.u32 v12, $0x7;
	[tilespmem:v14+s14+$0x0] =	vst.idx.msk $0xffff, v16  }
0x4d: {  	v8 =	vshrl.u32 v15, $0x7;
	v7 =	vshll.u32 v7, v2;
	v14 =	vld [tilespmem:s25+$0x70];
	v15 =	vor.u32 v3, v11;
	[tilespmem:v18+s14+$0x0] =	vst.idx.msk $0xffff, v4  }
0x4e: {  	v12 =	vshll.u32 v5, v2;
	v6 =	vshll.u32 v6, v2;
	v11 =	vshll.u32 v13, v2;
	v4 =	vld [tilespmem:s25+$0x0]  }
.Ltmp1:
0x4f: {  	v7 =	vadd.s32 v10, v7;
	v9 =	vshll.u32 v9, v2;
	v13 =	vshll.u32 v8, v2;
	v8 =	vld [tilespmem:s25+$0x10];
	(pc) =	sbr.rel @p1 .LBB2_5-.Ltmp1, $4  }
0x50: {  	v20 =	vadd.s32 v10, v6;
	v18 =	vadd.s32 v10, v12;
	v16 =	vadd.s32 v10, v11;
	v5 =	vld [tilespmem:s25+$0x20]  }
0x51: {  	v21 =	vbroadcast v7, $0x0;
	v22 =	vadd.s32 v10, v9;
	v11 =	vor.u32 v10, v13;
	v6 =	vld [tilespmem:s25+$0x30];
	[tilespmem:v19+s14+$0x0] =	vst.idx.msk $0xffff, v17  }
0x52: {  	v13 =	vbroadcast v18, $0x0;
	v12 =	vbroadcast v16, $0x0;
	v7 =	vld [tilespmem:s25+$0x40];
	[tilespmem:v15+s14+$0x0] =	vst.idx.msk $0xffff, v14  }
0x53: {  	s24 =	sadd.s32 $0x80, s24;
	v10 =	vor.u32 v0, v21;
	v15 =	vbroadcast v20, $0x0;
	v14 =	vbroadcast v22, $0x0;
	v9 =	vld [tilespmem:s25+$0x50]  }
0x54: {  	v12 =	vor.u32 v3, v12  }
0x55: {  	v13 =	vor.u32 v0, v13  }
0x56: {  	v11 =	vbroadcast v11, $0x0;
	v15 =	vor.u32 v3, v15  }
0x57: {  	v16 =	vld [tilespmem:s25+$0x60];
	v14 =	vor.u32 v0, v14  }
0x58: {  	[tilespmem:v10+s14+$0x0] =	vst.idx.msk $0xffff, v5;
	v17 =	vor.u32 v0, v11  }
0x59: {  	v5 =	vor.u32 v3, v11;
	[tilespmem:v12+s14+$0x0] =	vst.idx.msk $0xffff, v6  }
0x5a: {  	[tilespmem:v13+s14+$0x0] =	vst.idx.msk $0xffff, v7  }
0x5b: {  	p1 =	seq.s32 s21, $0xF;
	[tilespmem:v15+s14+$0x0] =	vst.idx.msk $0xffff, v9  }
0x5c: {  	s23 =	sadd.s32 @!p1 s22, s7;
	[tilespmem:v14+s14+$0x0] =	vst.idx.msk $0xffff, v16  }
0x5d: {  	s23 =	sshrl.u32 @!p1 s23, $0x3;
	[tilespmem:v17+s14+$0x0] =	vst.idx.msk $0xffff, v4  }
0x5e: {  	s24 =	simm.s32 @!p1 $0x0;
	s23 =	sadd.s32 @!p1 s2, s23;
	[tilespmem:v5+s14+$0x0] =	vst.idx.msk $0xffff, v8  }
0x5f: {  	[tilespmem:s24], [sflag:$0x1] =	stream.linear.gather @!p1 [hbm4b:s23+s24], $0x1000, $0x38;
	[tilespmem:$0xA000] =	vst v63  }
0x60: {  	s23 =	sshll.u32 s21, $0xF  }
0x61: {  	s30 =	sadd.s32 s8, s23  }
0x62: {  	s24 =	sshrl.u32 s30, $0x3  }
0x63: {  	s31 =	simm.s32 $0x0;
	s28 =	simm.s32 $0x0;
	s24 =	sadd.s32 s3, s24  }
0x64: {  	[hbm4b:s24+s4] =	stream.linear.scatter [tilespmem:s14], [sflag:$0x3], $0x4000, $0x38;
	[tilespmem:$0xA000] =	vst v63  }
0x65: {  	v5 =	vmov s28;
	s24 =	sand.u32 $0x180, s31  }
0x66: {  	s26 =	simm.s32 @!p0 $0x4;
	v5 =	vshll.u32 v5, $0x7;
	s25 =	sshll.u32 s24, $0x2  }
0x67: {  	v10 =	vand.u32 $0x380, v5;
	_ =	swait.ge @!p0 [sflag:s26], $0x4000;
	s29 =	sor.u32 $0x80, s25;
	s30 =	sor.u32 $0x1C0, s25  }
0x68: {  	v4 =	vmov s25;
	s1 =	sor.u32 $0xC0, s25;
	[sflag:s26] =	ssyncset.done @!p0 $0x0;
	s31 =	sor.u32 $0x100, s25;
	v6 =	vmov s29;
	v7 =	vmov s30  }
0x69: {  	v8 =	vmov s1;
	[sflag:s26] =	ssyncadd.s32 @!p0 $0xFFFFC000;
	s1 =	sor.u32 $0x140, s25;
	v5 =	vmov s31;
	v7 =	vshrl.u32 v7, $0x7  }
0x6a: {  	s25 =	sor.u32 $0x180, s25;
	s30 =	simm.s32 $0x0;
	v12 =	vshrl.u32 v4, $0x7;
	_ =	swait.ge [sflag:s15], $0x1000;
	v9 =	vmov s1;
	v7 =	vshll.u32 v7, v2  }
0x6b: {  	s24 =	sshll.u32 s24, $0x3;
	v11 =	vmov s25;
	s31 =	sand.u32 $0x3FFFFF80, s30;
	v6 =	vshrl.u32 v6, $0x7;
	[sflag:s15] =	ssyncset.done $0x0;
	v7 =	vadd.s32 v10, v7  }
0x6c: {  	v8 =	vshrl.u32 v8, $0x7;
	v5 =	vshrl.u32 v5, $0x7;
	s26 =	sadd.s32 s31, s24;
	[sflag:s15] =	ssyncadd.s32 $0xFFFFF000;
	v7 =	vbroadcast v7, $0x0  }
0x6d: {  	v12 =	vshll.u32 v12, v2;
	v9 =	vshrl.u32 v9, $0x7;
	v11 =	vshrl.u32 v11, $0x7;
	v14 =	vld [tilespmem:s26+$0x1070]  }
0x6e: {  	v6 =	vshll.u32 v6, v2;
	v13 =	vshll.u32 v9, v2;
	v4 =	vld [tilespmem:s26+$0x1000];
	v15 =	vor.u32 v3, v7  }
0x6f: {  	v6 =	vadd.s32 v10, v6;
	v16 =	vshll.u32 v11, v2;
	v11 =	vor.u32 v10, v12;
	v9 =	vld [tilespmem:s26+$0x1010]  }
0x70: {  	v18 =	vbroadcast v6, $0x0;
	v6 =	vld [tilespmem:s26+$0x1030];
	v7 =	vshll.u32 v8, v2;
	v8 =	vshll.u32 v5, v2  }
0x71: {  	v17 =	vadd.s32 v10, v13;
	v5 =	vld [tilespmem:s26+$0x1020];
	v7 =	vadd.s32 v10, v7;
	v8 =	vadd.s32 v10, v8  }
0x72: {  	v16 =	vadd.s32 v10, v16;
	v12 =	vbroadcast v7, $0x0;
	v7 =	vld [tilespmem:s26+$0x1040];
	v13 =	vbroadcast v8, $0x0  }
0x73: {  	s25 =	simm.s32 $0x80;
	s24 =	simm.s32 $0x0;
	v10 =	vor.u32 v0, v18;
	v8 =	vld [tilespmem:s26+$0x1050];
	[tilespmem:v15+s16+$0x0] =	vst.idx.msk $0xffff, v14;
	v15 =	vbroadcast v17, $0x0;
	v14 =	vbroadcast v16, $0x0  }
.LBB2_7:
0x74: {  	s28 =	sand.u32 $0x180, s25;
	v11 =	vbroadcast v11, $0x0;
	v12 =	vor.u32 v3, v12;
	v13 =	vor.u32 v0, v13;
	v16 =	vld [tilespmem:s26+$0x1060];
	v17 =	vmovc v9  }
0x75: {  	s24 =	sadd.s32 $0x8, s24;
	s26 =	sshll.u32 s28, $0x2;
	v9 =	vor.u32 v3, v15;
	v14 =	vor.u32 v0, v14  }
0x76: {  	s29 =	sshrl.u32 s24, $0x6;
	v15 =	vmov s26;
	s30 =	sor.u32 $0x80, s26;
	s31 =	sor.u32 $0x1C0, s26;
	v18 =	vor.u32 v0, v11;
	v19 =	vor.u32 v3, v11  }
0x77: {  	v11 =	vmov s29;
	s29 =	sor.u32 $0xC0, s26;
	s1 =	sor.u32 $0x140, s26;
	v20 =	vmov s30;
	s30 =	sor.u32 $0x100, s26;
	v21 =	vmov s31  }
0x78: {  	p0 =	slt.u32 s24, $0xF8;
	v11 =	vshll.u32 v11, $0x7;
	v22 =	vmov s29;
	s26 =	sor.u32 $0x180, s26;
	v21 =	vshrl.u32 v21, $0x7;
	[tilespmem:v10+s16+$0x0] =	vst.idx.msk $0xffff, v5  }
0x79: {  	v10 =	vand.u32 $0x380, v11;
	v5 =	vmov s30;
	v11 =	vshll.u32 v21, v2;
	[tilespmem:v12+s16+$0x0] =	vst.idx.msk $0xffff, v6  }
0x7a: {  	s29 =	sshll.u32 s24, $0x1;
	v6 =	vmov s1;
	v12 =	vmov s26;
	v11 =	vadd.s32 v10, v11;
	[tilespmem:v13+s16+$0x0] =	vst.idx.msk $0xffff, v7  }
0x7b: {  	s1 =	sshll.u32 s28, $0x3;
	s26 =	sand.u32 $0x3FFFFF80, s29;
	v7 =	vshrl.u32 v20, $0x7;
	v13 =	vshrl.u32 v22, $0x7;
	v11 =	vbroadcast v11, $0x0;
	[tilespmem:v9+s16+$0x0] =	vst.idx.msk $0xffff, v8  }
0x7c: {  	v5 =	vshrl.u32 v5, $0x7;
	s26 =	sadd.s32 s26, s1;
	v6 =	vshrl.u32 v6, $0x7;
	v8 =	vshrl.u32 v12, $0x7;
	[tilespmem:v14+s16+$0x0] =	vst.idx.msk $0xffff, v16  }
0x7d: {  	v9 =	vshrl.u32 v15, $0x7;
	v7 =	vshll.u32 v7, v2;
	v14 =	vld [tilespmem:s26+$0x1070];
	v15 =	vor.u32 v3, v11;
	[tilespmem:v18+s16+$0x0] =	vst.idx.msk $0xffff, v4  }
0x7e: {  	v12 =	vshll.u32 v5, v2;
	v6 =	vshll.u32 v6, v2;
	v11 =	vshll.u32 v13, v2;
	v4 =	vld [tilespmem:s26+$0x1000]  }
.Ltmp2:
0x7f: {  	v7 =	vadd.s32 v10, v7;
	v8 =	vshll.u32 v8, v2;
	v13 =	vshll.u32 v9, v2;
	v9 =	vld [tilespmem:s26+$0x1010];
	(pc) =	sbr.rel @p0 .LBB2_7-.Ltmp2, $4  }
0x80: {  	v20 =	vadd.s32 v10, v6;
	v18 =	vadd.s32 v10, v12;
	v16 =	vadd.s32 v10, v11;
	v5 =	vld [tilespmem:s26+$0x1020]  }
0x81: {  	v21 =	vbroadcast v7, $0x0;
	v22 =	vadd.s32 v10, v8;
	v11 =	vor.u32 v10, v13;
	v6 =	vld [tilespmem:s26+$0x1030];
	[tilespmem:v19+s16+$0x0] =	vst.idx.msk $0xffff, v17  }
0x82: {  	v13 =	vbroadcast v18, $0x0;
	v12 =	vbroadcast v16, $0x0;
	v7 =	vld [tilespmem:s26+$0x1040];
	[tilespmem:v15+s16+$0x0] =	vst.idx.msk $0xffff, v14  }
0x83: {  	s25 =	sadd.s32 $0x80, s25;
	v10 =	vor.u32 v0, v21;
	v15 =	vbroadcast v20, $0x0;
	v14 =	vbroadcast v22, $0x0;
	v8 =	vld [tilespmem:s26+$0x1050]  }
0x84: {  	v12 =	vor.u32 v3, v12  }
0x85: {  	v13 =	vor.u32 v0, v13  }
0x86: {  	v11 =	vbroadcast v11, $0x0;
	v15 =	vor.u32 v3, v15  }
0x87: {  	v16 =	vld [tilespmem:s26+$0x1060];
	v14 =	vor.u32 v0, v14  }
0x88: {  	[tilespmem:v10+s16+$0x0] =	vst.idx.msk $0xffff, v5;
	v17 =	vor.u32 v0, v11  }
0x89: {  	v5 =	vor.u32 v3, v11;
	[tilespmem:v12+s16+$0x0] =	vst.idx.msk $0xffff, v6  }
0x8a: {  	[tilespmem:v13+s16+$0x0] =	vst.idx.msk $0xffff, v7  }
0x8b: {  	[tilespmem:v15+s16+$0x0] =	vst.idx.msk $0xffff, v8  }
0x8c: {  	s1 =	sadd.s32 @!p1 s22, s9;
	s22 =	simm.s32 @!p1 $0x0;
	s21 =	sadd.s32 $0x1, s21;
	[tilespmem:v14+s16+$0x0] =	vst.idx.msk $0xffff, v16  }
0x8d: {  	s24 =	simm.s32 @!p1 $0x1000;
	s1 =	sshrl.u32 @!p1 s1, $0x3;
	p0 =	sne.s32 s21, $0x10;
	[tilespmem:v17+s16+$0x0] =	vst.idx.msk $0xffff, v4  }
.Ltmp3:
0x8e: {  	s31 =	sadd.s32 s11, s23;
	s1 =	sadd.s32 @!p1 s2, s1;
	[tilespmem:v5+s16+$0x0] =	vst.idx.msk $0xffff, v9;
	(pc) =	sbr.rel @p0 .LBB2_4-.Ltmp3, $4  }
0x8f: {  	[tilespmem:s24], [sflag:$0x2] =	stream.linear.gather @!p1 [hbm4b:s1+s22], $0x1000, $0x38;
	[tilespmem:$0xA000] =	vst v63  }
0x90: {  	s1 =	sshrl.u32 s31, $0x3  }
0x91: {  	s1 =	sadd.s32 s3, s1  }
0x92: {  	[hbm4b:s1+s4] =	stream.linear.scatter [tilespmem:s16], [sflag:$0x4], $0x4000, $0x38;
	[tilespmem:$0xA000] =	vst v63  }
0x93: {  	s19 =	sadd.s32 $0x1, s19  }
0x94: {  	_ =	swait.ge [sflag:s17], $0x4000;
	p0 =	sne.s32 s19, s10  }
.Ltmp4:
0x95: {  	[sflag:s17] =	ssyncset.done $0x0;
	(pc) =	sbr.rel @p0 .LBB2_1-.Ltmp4, $4  }
0x96: {  	[sflag:s17] =	ssyncadd.s32 $0xFFFFC000  }
0x97: {  	_ =	swait.ge [sflag:s18], $0x4000  }
0x98: {  	[sflag:s18] =	ssyncset.done $0x0  }
0x99: {  	[sflag:s18] =	ssyncadd.s32 $0xFFFFC000  }
0x9a: {  	_ =	sfence.sel $0x180000  }
0x9b: {  	[bflag:$0x0] =	sbarrier.arrive $0xFFFF  }
0x9c: {  	_ =	strace $0x90000047  }
0x9d: {  	[bflag:$0x2] =	sbarrier.arrive $0xFFFF  }
0x9e: {  	p0 =	sne.s32 s0, $0x0;
	s0 =	rddreg [dreg:$0x2]  }
0x9f: {  	s0 =	sadd.s32 @!p0 $0x100000, s0  }
0xa0: {  	[sflag:s0] =	ssyncadd.tile.s32 @!p0 $0x1;
	_ =	shalt  }
.Lfunc_end2:
_tile_overlayer_lowered:
.L_overlay_start_2:
0xa1: {  	(tag) =	ssettag $0x2  }
0xa2: {  	s0 =	rddreg [dreg:$0x0];
	s2 =	stileid.u32  }
0xa3: {  	s1 =	rddreg [dreg:$0x1];
	p0 =	sne.s32 s2, $0x0  }
0xa4: {  	s3 =	rddreg [dreg:$0x2];
	[bflag:$0x3] =	sbarrier.arrive $0xFFFF;
	s2 =	simm.s32 @!p0 $0x1C05  }
0xa5: {  	[timem:s3], [sflag:s2] =	dma.local @!p0 [hbm:s0], s1  }
0xa6: {  	s0 =	simm.s32 @!p0 $0x5  }
0xa7: {  	_ =	swait.ge @!p0 [sflag:s0], s1  }
0xa8: {  	s1 =	ssub.s32 @!p0 $0x0, s1;
	[sflag:s0] =	ssyncset.done @!p0 $0x0  }
0xa9: {  	[sflag:s0] =	ssyncadd.s32 @!p0 s1  }
0xaa: {  	[bflag:$0x3] =	sbarrier.arrive $0xFFFF  }
0xab: {  	_ =	shalt  }

</sc_bundles>
